<compile_context>
chip_gen: v7x
topology: tpu7x:2x2x1
jax: 0.10.2.dev20260603
libtpu: 0.0.44.dev20260713+nightly
codegen_flags: <defaults>
</compile_context>

<pallas_src>
import jax
import jax.numpy as jnp
from jax import lax
from jax.experimental import pallas as pl
from jax.experimental.pallas import tpu as pltpu

_QB = 256


_EPS = 4e-6
_MAXFIX = 128


def _score_kernel(cta_ref, sta_ref, ctz_ref, stz_ref,
                  cda_ref, sda_ref, cdz_ref, sdz_ref,
                  oh_ref, flag_ref):
    cta, sta = cta_ref[...], sta_ref[...]
    ctz, stz = ctz_ref[...], stz_ref[...]
    cda, sda = cda_ref[...], sda_ref[...]
    cdz, sdz = cdz_ref[...], sdz_ref[...]
    s = stz * sdz + (ctz * cdz) * (cta * cda + sta * sda)
    m = jnp.max(s, axis=1, keepdims=True)
    mask = s >= m - _EPS
    iota = lax.broadcasted_iota(jnp.int32, s.shape, 1)
    idx = jnp.min(jnp.where(mask, iota, s.shape[1]), axis=1,
                  keepdims=True)
    flag_ref[...] = jnp.sum(mask.astype(jnp.int32), axis=1,
                            keepdims=True)
    oh_ref[...] = (iota == idx).astype(jnp.bfloat16)


def _combine_kernel(oh_ref, x_ref, wc_ref, wds_ref, wb_ref, s_ref,
                    ds_ref, bf_ref, bw_ref):
    oh = oh_ref[...]
    nt = (((1,), (1,)), ((), ()))
    gc = lax.dot_general(oh, wc_ref[...], nt,
                         preferred_element_type=jnp.float32)
    gds = lax.dot_general(oh, wds_ref[...], nt,
                          preferred_element_type=jnp.float32)
    x = x_ref[...]
    ds_ref[...] = gds * x
    p = gc * x
    bf_ref[...] = jax.lax.dot(p, s_ref[...],
                              preferred_element_type=jnp.float32)
    bw_ref[...] = lax.dot_general(oh, wb_ref[...], nt,
                                  preferred_element_type=jnp.float32)


def kernel(X, target_doas, dirs, w_conj, w_conj_ds, w_binaural):
    B, T, F, C = X.shape
    D = dirs.shape[0]
    O = w_binaural.shape[0]
    Q = B * T
    FC = F * C

    t = (jnp.pi / 180.0) * target_doas[:, :T, :]
    ta = t[..., 0].reshape(Q, 1)
    tz = t[..., 1].reshape(Q, 1)
    da = dirs[..., 0].reshape(1, D)
    dz = dirs[..., 1].reshape(1, D)
    cta, sta = jnp.cos(ta), jnp.sin(ta)
    ctz, stz = jnp.cos(tz), jnp.sin(tz)
    cda, sda = jnp.cos(da), jnp.sin(da)
    cdz, sdz = jnp.cos(dz), jnp.sin(dz)

    wc2 = jnp.transpose(w_conj.astype(jnp.bfloat16),
                        (1, 0, 2)).reshape(FC, D)
    wds2 = jnp.transpose(w_conj_ds.astype(jnp.bfloat16),
                         (1, 0, 2)).reshape(FC, D)
    wb2 = jnp.transpose(w_binaural.astype(jnp.bfloat16),
                        (1, 0, 2)).reshape(F * O, D)

    sel = (jnp.arange(FC, dtype=jnp.int32)[:, None] // C ==
           jnp.arange(F, dtype=jnp.int32)[None, :]).astype(jnp.float32)

    X2 = X.reshape(Q, FC)
    qspec = pl.BlockSpec((_QB, 1), lambda i: (i, 0))
    dspec = pl.BlockSpec((1, D), lambda i: (0, 0))
    oh2, flag2 = pl.pallas_call(
        _score_kernel,
        grid=(Q // _QB,),
        in_specs=[qspec, qspec, qspec, qspec,
                  dspec, dspec, dspec, dspec],
        out_specs=[
            pl.BlockSpec((_QB, D), lambda i: (i, 0)),
            pl.BlockSpec((_QB, 1), lambda i: (i, 0)),
        ],
        out_shape=[
            jax.ShapeDtypeStruct((Q, D), jnp.bfloat16),
            jax.ShapeDtypeStruct((Q, 1), jnp.int32),
        ],
        compiler_params=pltpu.CompilerParams(
            dimension_semantics=("parallel",)),
    )(cta, sta, ctz, stz, cda, sda, cdz, sdz)

    ds2, bf2, bw2 = pl.pallas_call(
        _combine_kernel,
        grid=(Q // _QB,),
        in_specs=[
            pl.BlockSpec((_QB, D), lambda i: (i, 0)),
            pl.BlockSpec((_QB, FC), lambda i: (i, 0)),
            pl.BlockSpec((FC, D), lambda i: (0, 0)),
            pl.BlockSpec((FC, D), lambda i: (0, 0)),
            pl.BlockSpec((F * O, D), lambda i: (0, 0)),
            pl.BlockSpec((FC, F), lambda i: (0, 0)),
        ],
        out_specs=[
            pl.BlockSpec((_QB, FC), lambda i: (i, 0)),
            pl.BlockSpec((_QB, F), lambda i: (i, 0)),
            pl.BlockSpec((_QB, F * O), lambda i: (i, 0)),
        ],
        out_shape=[
            jax.ShapeDtypeStruct((Q, FC), jnp.float32),
            jax.ShapeDtypeStruct((Q, F), jnp.float32),
            jax.ShapeDtypeStruct((Q, F * O), jnp.float32),
        ],
        compiler_params=pltpu.CompilerParams(
            dimension_semantics=("parallel",)),
    )(oh2, X2, wc2, wds2, wb2, sel)

    flags = flag2.reshape(Q) > 1
    qfix = jnp.nonzero(flags, size=_MAXFIX, fill_value=0)[0]
    taq = ta.reshape(Q)[qfix]
    tzq = tz.reshape(Q)[qfix]
    azi_diff = taq[:, None] - dirs[..., 0][None, :]
    zen_diff = tzq[:, None] - dirs[..., 1][None, :]
    af = jnp.sin(zen_diff / 2.0) ** 2 + jnp.cos(tzq[:, None]) * \
        jnp.cos(dirs[..., 1][None, :]) * jnp.sin(azi_diff / 2.0) ** 2
    angf = 2.0 * jnp.arcsin(jnp.sqrt(jnp.clip(af, 0.0, 1.0)))
    indf = jnp.argmin(angf, axis=-1)
    ohf = (indf[:, None] == jnp.arange(D, dtype=jnp.int32)[None, :]
           ).astype(jnp.bfloat16)
    nt = (((1,), (1,)), ((), ()))
    wcr = lax.dot_general(ohf, wc2, nt, preferred_element_type=jnp.float32)
    wdsr = lax.dot_general(ohf, wds2, nt, preferred_element_type=jnp.float32)
    wbr = lax.dot_general(ohf, wb2, nt, preferred_element_type=jnp.float32)
    xr = X2[qfix]
    ds2 = ds2.at[qfix].set(wdsr * xr)
    bf2 = bf2.at[qfix].set(jnp.sum((wcr * xr).reshape(_MAXFIX, F, C),
                                   axis=-1))
    bw2 = bw2.at[qfix].set(wbr)

    return (ds2.reshape(B, T, F, C), bf2.reshape(B, T, F),
            bw2.reshape(B, T, F, O))

# --- scband reference (transcript-rebuilt; emitter-appended) ---
"""Pipeline reference for scband-feature-extractor-matched-filter-max-dir-39530878992458 (READ-ONLY COPY).

The authoritative reference and input builder live on the scoring server;
editing this copy changes nothing except your own understanding.
"""

import jax, jax.numpy as jnp
import numpy as np

B, T, F, C, D, O = 4, 512, 257, 8, 2048, 2

def setup_inputs(seed: int = 0) -> dict:
    key = jax.random.key(seed)
    ks = jax.random.split(key, 6)
    X = jax.random.normal(ks[0], (B, T, F, C), dtype=jnp.float32)
    # target DOAs in degrees: azimuth in [0,360), zenith in [0,180)
    target_doas = jax.random.uniform(ks[1], (B, T, 2), dtype=jnp.float32) * jnp.array([360.0, 180.0], dtype=jnp.float32)
    # candidate steering directions in radians: azimuth in [0,2pi), zenith in [0,pi)
    dirs = jax.random.uniform(ks[2], (D, 2), dtype=jnp.float32) * jnp.array([2.0 * np.pi, np.pi], dtype=jnp.float32)
    w_conj = jax.random.normal(ks[3], (C, F, D), dtype=jnp.float32)
    w_conj_ds = jax.random.normal(ks[4], (C, F, D), dtype=jnp.float32)
    w_binaural = jax.random.normal(ks[5], (O, F, D), dtype=jnp.float32)
    return {"X": X, "target_doas": target_doas, "dirs": dirs,
            "w_conj": w_conj, "w_conj_ds": w_conj_ds, "w_binaural": w_binaural}

def reference(X, target_doas, dirs, w_conj, w_conj_ds, w_binaural):
    # degrees -> radians, truncate to nFrame
    t = (jnp.pi / 180.0) * target_doas[:, :X.shape[1], :]
    azi_diff = t[..., 0][:, :, None] - dirs[..., 0][None, None, :]
    zen_diff = t[..., 1][:, :, None] - dirs[..., 1][None, None, :]
    # haversine angular distance between each (batch,frame) DOA and all candidate dirs
    a = jnp.sin(zen_diff / 2.0) ** 2 + jnp.cos(t[..., 1][:, :, None]) * jnp.cos(dirs[..., 1][None, None, :]) * jnp.sin(azi_diff / 2.0) ** 2
    angle_diff = 2.0 * jnp.arcsin(jnp.sqrt(jnp.clip(a, 0.0, 1.0)))
    # 1-NN lookup over the direction database
    ind = jnp.argmin(angle_diff, axis=-1)  # [B, T] int
    # gather beamformer weights for nearest direction, permute(2,3,1,0) -> [B,T,F,C]
    wc = jnp.transpose(w_conj[:, :, ind], (2, 3, 1, 0))
    wds = jnp.transpose(w_conj_ds[:, :, ind], (2, 3, 1, 0))
    ds_multichannel_out = wds * X
    bf_out = jnp.sum(wc * X, axis=-1)
    binaural_weights = jnp.transpose(w_binaural[:, :, ind], (2, 3, 1, 0))  # [B,T,F,O]
    return (ds_multichannel_out, bf_out, binaural_weights)

if __name__ == "__main__":
    import jax
    _d = setup_inputs()
    print(jax.jit(kernel)(*tuple(_d.values())))

</pallas_src>

<mosaic_0001>
module attributes {stable_mosaic.version = 14 : i64} {
  func.func @_score_kernel(%arg0: i32, %arg1: memref<256x1xf32, #tpu.memory_space<vmem>>, %arg2: memref<256x1xf32, #tpu.memory_space<vmem>>, %arg3: memref<256x1xf32, #tpu.memory_space<vmem>>, %arg4: memref<256x1xf32, #tpu.memory_space<vmem>>, %arg5: memref<1x2048xf32, #tpu.memory_space<vmem>>, %arg6: memref<1x2048xf32, #tpu.memory_space<vmem>>, %arg7: memref<1x2048xf32, #tpu.memory_space<vmem>>, %arg8: memref<1x2048xf32, #tpu.memory_space<vmem>>, %arg9: memref<256x2048xbf16, #tpu.memory_space<vmem>>, %arg10: memref<256x1xi32, #tpu.memory_space<vmem>>) attributes {dimension_semantics = [#tpu.dimension_semantics<parallel>], iteration_bounds = array<i64: 8>, scalar_prefetch = 0 : i64, scratch_operands = 0 : i64, tpu.core_type = #tpu.core_type<tc>, window_params = [{transform_indices = @transform_0, window_bounds = array<i64: 256, 1>}, {transform_indices = @transform_1, window_bounds = array<i64: 256, 1>}, {transform_indices = @transform_2, window_bounds = array<i64: 256, 1>}, {transform_indices = @transform_3, window_bounds = array<i64: 256, 1>}, {pipeline_mode = #tpu.pipeline_mode<synchronous>, transform_indices = @transform_4, window_bounds = array<i64: 1, 2048>}, {pipeline_mode = #tpu.pipeline_mode<synchronous>, transform_indices = @transform_5, window_bounds = array<i64: 1, 2048>}, {pipeline_mode = #tpu.pipeline_mode<synchronous>, transform_indices = @transform_6, window_bounds = array<i64: 1, 2048>}, {pipeline_mode = #tpu.pipeline_mode<synchronous>, transform_indices = @transform_7, window_bounds = array<i64: 1, 2048>}, {transform_indices = @transform_8, window_bounds = array<i64: 256, 2048>}, {transform_indices = @transform_9, window_bounds = array<i64: 256, 1>}]} {
    %get3A = arith.constant 0 : index
    %get3A_0 = arith.constant 0 : index
    %get3A_1 = vector.load %arg1[%get3A, %get3A_0] : memref<256x1xf32, #tpu.memory_space<vmem>>, vector<256x1xf32>
    %get3A_2 = arith.constant 0 : index
    %get3A_3 = arith.constant 0 : index
    %get3A_4 = vector.load %arg2[%get3A_2, %get3A_3] : memref<256x1xf32, #tpu.memory_space<vmem>>, vector<256x1xf32>
    %get3A_5 = arith.constant 0 : index
    %get3A_6 = arith.constant 0 : index
    %get3A_7 = vector.load %arg3[%get3A_5, %get3A_6] : memref<256x1xf32, #tpu.memory_space<vmem>>, vector<256x1xf32>
    %get3A_8 = arith.constant 0 : index
    %get3A_9 = arith.constant 0 : index
    %get3A_10 = vector.load %arg4[%get3A_8, %get3A_9] : memref<256x1xf32, #tpu.memory_space<vmem>>, vector<256x1xf32>
    %get3A_11 = arith.constant 0 : index
    %get3A_12 = arith.constant 0 : index
    %get3A_13 = vector.load %arg5[%get3A_11, %get3A_12] : memref<1x2048xf32, #tpu.memory_space<vmem>>, vector<1x2048xf32>
    %get3A_14 = arith.constant 0 : index
    %get3A_15 = arith.constant 0 : index
    %get3A_16 = vector.load %arg6[%get3A_14, %get3A_15] : memref<1x2048xf32, #tpu.memory_space<vmem>>, vector<1x2048xf32>
    %get3A_17 = arith.constant 0 : index
    %get3A_18 = arith.constant 0 : index
    %get3A_19 = vector.load %arg7[%get3A_17, %get3A_18] : memref<1x2048xf32, #tpu.memory_space<vmem>>, vector<1x2048xf32>
    %get3A_20 = arith.constant 0 : index
    %get3A_21 = arith.constant 0 : index
    %get3A_22 = vector.load %arg8[%get3A_20, %get3A_21] : memref<1x2048xf32, #tpu.memory_space<vmem>>, vector<1x2048xf32>
    %mul3A = vector.broadcast %get3A_10 : vector<256x1xf32> to vector<256x2048xf32>
    %mul3A_23 = vector.broadcast %get3A_22 : vector<1x2048xf32> to vector<256x2048xf32>
    %mul3A_24 = arith.mulf %mul3A, %mul3A_23 : vector<256x2048xf32>
    %mul3A_25 = vector.broadcast %get3A_7 : vector<256x1xf32> to vector<256x2048xf32>
    %mul3A_26 = vector.broadcast %get3A_19 : vector<1x2048xf32> to vector<256x2048xf32>
    %mul3A_27 = arith.mulf %mul3A_25, %mul3A_26 : vector<256x2048xf32>
    %mul3A_28 = vector.broadcast %get3A_1 : vector<256x1xf32> to vector<256x2048xf32>
    %mul3A_29 = vector.broadcast %get3A_13 : vector<1x2048xf32> to vector<256x2048xf32>
    %mul3A_30 = arith.mulf %mul3A_28, %mul3A_29 : vector<256x2048xf32>
    %mul3A_31 = vector.broadcast %get3A_4 : vector<256x1xf32> to vector<256x2048xf32>
    %mul3A_32 = vector.broadcast %get3A_16 : vector<1x2048xf32> to vector<256x2048xf32>
    %mul3A_33 = arith.mulf %mul3A_31, %mul3A_32 : vector<256x2048xf32>
    %add3A = arith.addf %mul3A_30, %mul3A_33 : vector<256x2048xf32>
    %mul3A_34 = arith.mulf %mul3A_27, %add3A : vector<256x2048xf32>
    %add3A_35 = arith.addf %mul3A_24, %mul3A_34 : vector<256x2048xf32>
    %reduce_max3A = arith.constant dense<0xFF800000> : vector<256xf32>
    %reduce_max3A_36 = vector.multi_reduction <maximumf>, %add3A_35, %reduce_max3A [1] : vector<256x2048xf32> to vector<256xf32>
    %broadcast_in_dim3A = vector.shape_cast %reduce_max3A_36 : vector<256xf32> to vector<256x1xf32>
    %sub3A = arith.constant 4.000000e-06 : f32
    %sub3A_37 = vector.broadcast %sub3A : f32 to vector<256x1xf32>
    %sub3A_38 = arith.subf %broadcast_in_dim3A, %sub3A_37 : vector<256x1xf32>
    %ge3A = vector.broadcast %sub3A_38 : vector<256x1xf32> to vector<256x2048xf32>
    %ge3A_39 = arith.cmpf oge, %add3A_35, %ge3A : vector<256x2048xf32>
    %iota3A = tpu.iota {dimensions = array<i32: 1>} : vector<256x2048xi32>
    %jit3A = arith.constant 2048 : i32
    %broadcast_in_dim3A_40 = vector.broadcast %jit3A : i32 to vector<256x2048xi32>
    %select_n3A = arith.select %ge3A_39, %iota3A, %broadcast_in_dim3A_40 : vector<256x2048xi1>, vector<256x2048xi32>
    %reduce_min3A = arith.constant dense<2147483647> : vector<256xi32>
    %reduce_min3A_41 = vector.multi_reduction <minsi>, %select_n3A, %reduce_min3A [1] : vector<256x2048xi32> to vector<256xi32>
    %broadcast_in_dim3A_42 = vector.shape_cast %reduce_min3A_41 : vector<256xi32> to vector<256x1xi32>
    %convert_element_type3A = arith.extui %ge3A_39 : vector<256x2048xi1> to vector<256x2048xi32>
    %reduce_sum3A = arith.constant dense<0> : vector<256xi32>
    %reduce_sum3A_43 = vector.multi_reduction <add>, %convert_element_type3A, %reduce_sum3A [1] : vector<256x2048xi32> to vector<256xi32>
    %broadcast_in_dim3A_44 = vector.shape_cast %reduce_sum3A_43 : vector<256xi32> to vector<256x1xi32>
    %swap3A = arith.constant 0 : index
    %swap3A_45 = arith.constant 0 : index
    %swap3A_46 = vector.load %arg10[%swap3A, %swap3A_45] : memref<256x1xi32, #tpu.memory_space<vmem>>, vector<256x1xi32>
    tpu.vector_store %arg10[%swap3A, %swap3A_45], %broadcast_in_dim3A_44 {strides = array<i32>} : memref<256x1xi32, #tpu.memory_space<vmem>>, vector<256x1xi32>,
    %eq3A = vector.broadcast %broadcast_in_dim3A_42 : vector<256x1xi32> to vector<256x2048xi32>
    %eq3A_47 = arith.cmpi eq, %iota3A, %eq3A : vector<256x2048xi32>
    %convert_element_type3A_48 = arith.extui %eq3A_47 : vector<256x2048xi1> to vector<256x2048xi32>
    %convert_element_type3A_49 = arith.sitofp %convert_element_type3A_48 : vector<256x2048xi32> to vector<256x2048xf32>
    %convert_element_type3A_50 = arith.truncf %convert_element_type3A_49 : vector<256x2048xf32> to vector<256x2048xbf16>
    %swap3A_51 = arith.constant 0 : index
    %swap3A_52 = arith.constant 0 : index
    %swap3A_53 = vector.load %arg9[%swap3A_51, %swap3A_52] : memref<256x2048xbf16, #tpu.memory_space<vmem>>, vector<256x2048xbf16>
    tpu.vector_store %arg9[%swap3A_51, %swap3A_52], %convert_element_type3A_50 {strides = array<i32>} : memref<256x2048xbf16, #tpu.memory_space<vmem>>, vector<256x2048xbf16>,
    return
  }
  func.func @transform_0(%arg0: i32) -> (i32, i32) {
    %c0_i32 = arith.constant 0 : i32
    %c0_i32_0 = arith.constant 0 : i32
    return %arg0, %c0_i32 : i32, i32
  }
  func.func @transform_1(%arg0: i32) -> (i32, i32) {
    %c0_i32 = arith.constant 0 : i32
    %c0_i32_0 = arith.constant 0 : i32
    return %arg0, %c0_i32 : i32, i32
  }
  func.func @transform_2(%arg0: i32) -> (i32, i32) {
    %c0_i32 = arith.constant 0 : i32
    %c0_i32_0 = arith.constant 0 : i32
    return %arg0, %c0_i32 : i32, i32
  }
  func.func @transform_3(%arg0: i32) -> (i32, i32) {
    %c0_i32 = arith.constant 0 : i32
    %c0_i32_0 = arith.constant 0 : i32
    return %arg0, %c0_i32 : i32, i32
  }
  func.func @transform_4(%arg0: i32) -> (i32, i32) {
    %c0_i32 = arith.constant 0 : i32
    %c0_i32_0 = arith.constant 0 : i32
    %c0_i32_1 = arith.constant 0 : i32
    return %c0_i32, %c0_i32_0 : i32, i32
  }
  func.func @transform_5(%arg0: i32) -> (i32, i32) {
    %c0_i32 = arith.constant 0 : i32
    %c0_i32_0 = arith.constant 0 : i32
    %c0_i32_1 = arith.constant 0 : i32
    return %c0_i32, %c0_i32_0 : i32, i32
  }
  func.func @transform_6(%arg0: i32) -> (i32, i32) {
    %c0_i32 = arith.constant 0 : i32
    %c0_i32_0 = arith.constant 0 : i32
    %c0_i32_1 = arith.constant 0 : i32
    return %c0_i32, %c0_i32_0 : i32, i32
  }
  func.func @transform_7(%arg0: i32) -> (i32, i32) {
    %c0_i32 = arith.constant 0 : i32
    %c0_i32_0 = arith.constant 0 : i32
    %c0_i32_1 = arith.constant 0 : i32
    return %c0_i32, %c0_i32_0 : i32, i32
  }
  func.func @transform_8(%arg0: i32) -> (i32, i32) {
    %c0_i32 = arith.constant 0 : i32
    %c0_i32_0 = arith.constant 0 : i32
    return %arg0, %c0_i32 : i32, i32
  }
  func.func @transform_9(%arg0: i32) -> (i32, i32) {
    %c0_i32 = arith.constant 0 : i32
    %c0_i32_0 = arith.constant 0 : i32
    return %arg0, %c0_i32 : i32, i32
  }
}

module attributes {stable_mosaic.version = 14 : i64} {
  func.func @_combine_kernel(%arg0: i32, %arg1: memref<256x2048xbf16, #tpu.memory_space<vmem>>, %arg2: memref<256x2056xf32, #tpu.memory_space<vmem>>, %arg3: memref<2056x2048xbf16, #tpu.memory_space<vmem>>, %arg4: memref<2056x2048xbf16, #tpu.memory_space<vmem>>, %arg5: memref<514x2048xbf16, #tpu.memory_space<vmem>>, %arg6: memref<2056x257xf32, #tpu.memory_space<vmem>>, %arg7: memref<256x2056xf32, #tpu.memory_space<vmem>>, %arg8: memref<256x257xf32, #tpu.memory_space<vmem>>, %arg9: memref<256x514xf32, #tpu.memory_space<vmem>>) attributes {dimension_semantics = [#tpu.dimension_semantics<parallel>], iteration_bounds = array<i64: 8>, scalar_prefetch = 0 : i64, scratch_operands = 0 : i64, tpu.core_type = #tpu.core_type<tc>, window_params = [{transform_indices = @transform_0, window_bounds = array<i64: 256, 2048>}, {transform_indices = @transform_1, window_bounds = array<i64: 256, 2056>}, {pipeline_mode = #tpu.pipeline_mode<synchronous>, transform_indices = @transform_2, window_bounds = array<i64: 2056, 2048>}, {pipeline_mode = #tpu.pipeline_mode<synchronous>, transform_indices = @transform_3, window_bounds = array<i64: 2056, 2048>}, {pipeline_mode = #tpu.pipeline_mode<synchronous>, transform_indices = @transform_4, window_bounds = array<i64: 514, 2048>}, {pipeline_mode = #tpu.pipeline_mode<synchronous>, transform_indices = @transform_5, window_bounds = array<i64: 2056, 257>}, {transform_indices = @transform_6, window_bounds = array<i64: 256, 2056>}, {transform_indices = @transform_7, window_bounds = array<i64: 256, 257>}, {transform_indices = @transform_8, window_bounds = array<i64: 256, 514>}]} {
    %get3A = arith.constant 0 : index
    %get3A_0 = arith.constant 0 : index
    %get3A_1 = vector.load %arg1[%get3A, %get3A_0] : memref<256x2048xbf16, #tpu.memory_space<vmem>>, vector<256x2048xbf16>
    %get3A_2 = arith.constant 0 : index
    %get3A_3 = arith.constant 0 : index
    %get3A_4 = vector.load %arg3[%get3A_2, %get3A_3] : memref<2056x2048xbf16, #tpu.memory_space<vmem>>, vector<2056x2048xbf16>
    %dot_general3A = arith.constant dense<0.000000e+00> : vector<256x2056xf32>
    %dot_general3A_5 = tpu.matmul %get3A_1, %get3A_4, %dot_general3A {dimension_numbers = #tpu.dot_dimension_numbers<[1], [1], [0], [0], [0, 0, 1, 0], [], []>, transpose_lhs_hint = false} : vector<256x2048xbf16>, vector<2056x2048xbf16>, vector<256x2056xf32> -> vector<256x2056xf32>
    %get3A_6 = arith.constant 0 : index
    %get3A_7 = arith.constant 0 : index
    %get3A_8 = vector.load %arg4[%get3A_6, %get3A_7] : memref<2056x2048xbf16, #tpu.memory_space<vmem>>, vector<2056x2048xbf16>
    %dot_general3A_9 = arith.constant dense<0.000000e+00> : vector<256x2056xf32>
    %dot_general3A_10 = tpu.matmul %get3A_1, %get3A_8, %dot_general3A_9 {dimension_numbers = #tpu.dot_dimension_numbers<[1], [1], [0], [0], [0, 0, 1, 0], [], []>, transpose_lhs_hint = false} : vector<256x2048xbf16>, vector<2056x2048xbf16>, vector<256x2056xf32> -> vector<256x2056xf32>
    %get3A_11 = arith.constant 0 : index
    %get3A_12 = arith.constant 0 : index
    %get3A_13 = vector.load %arg2[%get3A_11, %get3A_12] : memref<256x2056xf32, #tpu.memory_space<vmem>>, vector<256x2056xf32>
    %mul3A = arith.mulf %dot_general3A_10, %get3A_13 : vector<256x2056xf32>
    %swap3A = arith.constant 0 : index
    %swap3A_14 = arith.constant 0 : index
    %swap3A_15 = vector.load %arg7[%swap3A, %swap3A_14] : memref<256x2056xf32, #tpu.memory_space<vmem>>, vector<256x2056xf32>
    tpu.vector_store %arg7[%swap3A, %swap3A_14], %mul3A {strides = array<i32>} : memref<256x2056xf32, #tpu.memory_space<vmem>>, vector<256x2056xf32>,
    %mul3A_16 = arith.mulf %dot_general3A_5, %get3A_13 : vector<256x2056xf32>
    %get3A_17 = arith.constant 0 : index
    %get3A_18 = arith.constant 0 : index
    %get3A_19 = vector.load %arg6[%get3A_17, %get3A_18] : memref<2056x257xf32, #tpu.memory_space<vmem>>, vector<2056x257xf32>
    %dot_general3A_20 = arith.constant dense<0.000000e+00> : vector<256x257xf32>
    %dot_general3A_21 = tpu.matmul %mul3A_16, %get3A_19, %dot_general3A_20 {dimension_numbers = #tpu.dot_dimension_numbers<[1], [0], [0], [1], [0, 0, 1, 1], [], []>, transpose_lhs_hint = false} : vector<256x2056xf32>, vector<2056x257xf32>, vector<256x257xf32> -> vector<256x257xf32>
    %swap3A_22 = arith.constant 0 : index
    %swap3A_23 = arith.constant 0 : index
    %swap3A_24 = vector.load %arg8[%swap3A_22, %swap3A_23] : memref<256x257xf32, #tpu.memory_space<vmem>>, vector<256x257xf32>
    tpu.vector_store %arg8[%swap3A_22, %swap3A_23], %dot_general3A_21 {strides = array<i32>} : memref<256x257xf32, #tpu.memory_space<vmem>>, vector<256x257xf32>,
    %get3A_25 = arith.constant 0 : index
    %get3A_26 = arith.constant 0 : index
    %get3A_27 = vector.load %arg5[%get3A_25, %get3A_26] : memref<514x2048xbf16, #tpu.memory_space<vmem>>, vector<514x2048xbf16>
    %dot_general3A_28 = arith.constant dense<0.000000e+00> : vector<256x514xf32>
    %dot_general3A_29 = tpu.matmul %get3A_1, %get3A_27, %dot_general3A_28 {dimension_numbers = #tpu.dot_dimension_numbers<[1], [1], [0], [0], [0, 0, 1, 0], [], []>, transpose_lhs_hint = false} : vector<256x2048xbf16>, vector<514x2048xbf16>, vector<256x514xf32> -> vector<256x514xf32>
    %swap3A_30 = arith.constant 0 : index
    %swap3A_31 = arith.constant 0 : index
    %swap3A_32 = vector.load %arg9[%swap3A_30, %swap3A_31] : memref<256x514xf32, #tpu.memory_space<vmem>>, vector<256x514xf32>
    tpu.vector_store %arg9[%swap3A_30, %swap3A_31], %dot_general3A_29 {strides = array<i32>} : memref<256x514xf32, #tpu.memory_space<vmem>>, vector<256x514xf32>,
    return
  }
  func.func @transform_0(%arg0: i32) -> (i32, i32) {
    %c0_i32 = arith.constant 0 : i32
    %c0_i32_0 = arith.constant 0 : i32
    return %arg0, %c0_i32 : i32, i32
  }
  func.func @transform_1(%arg0: i32) -> (i32, i32) {
    %c0_i32 = arith.constant 0 : i32
    %c0_i32_0 = arith.constant 0 : i32
    return %arg0, %c0_i32 : i32, i32
  }
  func.func @transform_2(%arg0: i32) -> (i32, i32) {
    %c0_i32 = arith.constant 0 : i32
    %c0_i32_0 = arith.constant 0 : i32
    %c0_i32_1 = arith.constant 0 : i32
    return %c0_i32, %c0_i32_0 : i32, i32
  }
  func.func @transform_3(%arg0: i32) -> (i32, i32) {
    %c0_i32 = arith.constant 0 : i32
    %c0_i32_0 = arith.constant 0 : i32
    %c0_i32_1 = arith.constant 0 : i32
    return %c0_i32, %c0_i32_0 : i32, i32
  }
  func.func @transform_4(%arg0: i32) -> (i32, i32) {
    %c0_i32 = arith.constant 0 : i32
    %c0_i32_0 = arith.constant 0 : i32
    %c0_i32_1 = arith.constant 0 : i32
    return %c0_i32, %c0_i32_0 : i32, i32
  }
  func.func @transform_5(%arg0: i32) -> (i32, i32) {
    %c0_i32 = arith.constant 0 : i32
    %c0_i32_0 = arith.constant 0 : i32
    %c0_i32_1 = arith.constant 0 : i32
    return %c0_i32, %c0_i32_0 : i32, i32
  }
  func.func @transform_6(%arg0: i32) -> (i32, i32) {
    %c0_i32 = arith.constant 0 : i32
    %c0_i32_0 = arith.constant 0 : i32
    return %arg0, %c0_i32 : i32, i32
  }
  func.func @transform_7(%arg0: i32) -> (i32, i32) {
    %c0_i32 = arith.constant 0 : i32
    %c0_i32_0 = arith.constant 0 : i32
    return %arg0, %c0_i32 : i32, i32
  }
  func.func @transform_8(%arg0: i32) -> (i32, i32) {
    %c0_i32 = arith.constant 0 : i32
    %c0_i32_0 = arith.constant 0 : i32
    return %arg0, %c0_i32 : i32, i32
  }
}

</mosaic_0001>

<sc_bundles>
// kernel: scatter_offload_async_start
scs
__scs_entry_jumppad:
0x0: {  	(pc) =	sbr.rel $0x88, $3  }
0x1: {  	(tag) =	ssettag $0x0;
	lr =	simm.s32 $0x1  }
0x2: {  	[smem:$0x3F9B] =	sst lr;
	_ =	strace $0xD0000000  }
0x3: {  	_ = 	snop  }
0x4: {  	_ = 	snop  }
0x5: {  	_ = 	snop  }
0x6: {  	_ = 	snop  }
0x7: {  	_ = 	snop  }
__scs_overlays_trampoline_lowered:
0x8: {  	[smem:$0x3FAA] =	sst s0  }
0x9: {  	[smem:$0x3FAB] =	sst s1  }
0xa: {  	[smem:$0x3FAC] =	sst s2  }
0xb: {  	[smem:$0x3FAD] =	sst s3  }
0xc: {  	[smem:$0x3FAE] =	sst s4  }
0xd: {  	[smem:$0x3FAF] =	sst s5  }
0xe: {  	[smem:$0x3FB0] =	sst s6  }
0xf: {  	[smem:$0x3FB1] =	sst s7  }
0x10: {  	[smem:$0x3FB2] =	sst s8  }
0x11: {  	[smem:$0x3FB3] =	sst s9;
	s0 =	simm.s32 @!p0 $0x0  }
0x12: {  	s1 =	sld [smem:$0x3F99];
	s0 =	simm.s32 @p0 $0x1  }
0x13: {  	[smem:$0x3FB4] =	sst s0;
	s0 =	simm.s32 @!p1 $0x0  }
0x14: {  	s2 =	sld [smem:$0x3F98];
	s0 =	simm.s32 @p1 $0x1  }
0x15: {  	[smem:$0x3FB5] =	sst s0;
	s0 =	simm.s32 @!p2 $0x0  }
0x16: {  	s3 =	sld [smem:$0x3FDB];
	s0 =	simm.s32 @p2 $0x1  }
0x17: {  	s4 =	simm.s32 $0x1BF5;
	[smem:$0x3FB7] =	sst s0  }
0x18: {  	s0 =	sld [smem:$0x3F9A];
	_ =	swait.ge [sflag:s4], $0x0  }
0x19: {  	s7 =	sld [smem:$0x3F9B]  }
0x1a: {  	s8 =	sadd.s32 $0xFFFFE003, lr  }
0x1b: {  	s9 =	sadd.s32 $0xFFFFFEF7, lr;
	s5 =	simm.s32 $0xFFFFFFFF;
	p2 =	slt.u32 s8, $0xFFFFF086  }
0x1c: {  	p1 =	slt.u32 s9, $0xF7A;
	s5 =	simm.s32 @!p2 $0x0  }
0x1d: {  	s5 =	simm.s32 @p1 $0x1;
	p0 =	seq.s32 s7, s2  }
0x1e: {  	s7 =	smul.u32 @!p0 $0xF7A, s2;
	p2 =	seq.s32 @!p0 s5, $0x0  }
0x1f: {  	s9 =	smul.u32 $0xF7A, s1;
	s8 =	simm.s32 @!p0 $0x1BF5;
	p2 =	por !p2, p0  }
0x20: {  	[sflag:s8] =	ssyncset.s32 @!p0 $0xFFFFF086;
	s6 =	sadd.s32 @!p0 s3, s7;
	s7 =	simm.s32 @!p0 $0x108  }
0x21: {  	s3 =	sadd.s32 s3, s9;
	s6 =	sadd.s32 @!p0 $0x88, s6;
	s7 =	simm.s32 @p2 $0x1082  }
0x22: {  	[simem:s7], [sflag:s8] =	dma.local @!p0 [hbm:s6], $0xF7A  }
0x23: {  	s9 =	sor.u32 $0xD0000000, s2;
	s6 =	simm.s32 $0x108;
	_ =	swait.ge @!p0 [sflag:s8], $0x0  }
0x24: {  	s3 =	sadd.s32 $0x88, s3;
	s6 =	simm.s32 @!p1 $0x1082;
	[sflag:s4] =	ssyncset.s32 $0xFFFFF086  }
0x25: {  	[simem:s6], [sflag:s4] =	dma.local [hbm:s3], $0xF7A  }
0x26: {  	[smem:$0x3F9B] =	sst s1;
	(tag) =	ssettag s2;
	_ =	strace s9  }
0x27: {  	s1 =	sld [smem:$0x3FAB]  }
0x28: {  	s2 =	sld [smem:$0x3FAC]  }
0x29: {  	s4 =	sld [smem:$0x3FAE]  }
0x2a: {  	p0 =	seq.s32 s5, $0x0;
	s5 =	sld [smem:$0x3FAF]  }
0x2b: {  	s6 =	sld [smem:$0x3FB0]  }
0x2c: {  	s7 =	sld [smem:$0x3FB1]  }
0x2d: {  	s3 =	simm.s32 $0x108;
	s8 =	sld [smem:$0x3FB2]  }
0x2e: {  	s3 =	simm.s32 @!p0 $0x1082;
	s9 =	sld [smem:$0x3FB3]  }
0x2f: {  	lr =	sadd.s32 s0, s3;
	s0 =	sld [smem:$0x3FAA]  }
0x30: {  	s3 =	sld [smem:$0x3FAD]  }
0x31: {  	[smem:$0x3FB6] =	sst s10  }
0x32: {  	s10 =	sld [smem:$0x3FB4];
	_ =	sdelay $0x3  }
0x33: {  	p0 =	seq.s32 s10, $0x1;
	s10 =	sld [smem:$0x3FB6];
	_ =	sdelay $0x3  }
0x34: {  	[smem:$0x3FB6] =	sst s10  }
0x35: {  	s10 =	sld [smem:$0x3FB5];
	_ =	sdelay $0x3  }
0x36: {  	p1 =	seq.s32 s10, $0x1;
	s10 =	sld [smem:$0x3FB6];
	_ =	sdelay $0x3  }
0x37: {  	[smem:$0x3FB6] =	sst s10  }
0x38: {  	s10 =	sld [smem:$0x3FB7]  }
0x39: {  	_ = 	snop;
	(pc) =	sbr.ind lr, $3  }
0x3a: {  	_ = 	snop  }
0x3b: {  	_ = 	snop  }
0x3c: {  	p2 =	seq.s32 s10, $0x1;
	s10 =	sld [smem:$0x3FB6]  }
0x3d: {  	_ =	shalt  }
0x3e: {  	_ =	shalt  }
0x3f: {  	_ =	shalt  }
0x40: {  	_ =	shalt  }
0x41: {  	_ =	shalt  }
0x42: {  	_ =	shalt  }
0x43: {  	_ =	shalt  }
0x44: {  	_ =	shalt  }
0x45: {  	_ =	shalt  }
0x46: {  	_ =	shalt  }
0x47: {  	_ =	shalt  }
0x48: {  	_ =	shalt  }
0x49: {  	_ =	shalt  }
0x4a: {  	_ =	shalt  }
0x4b: {  	_ =	shalt  }
0x4c: {  	_ =	shalt  }
0x4d: {  	_ =	shalt  }
0x4e: {  	_ =	shalt  }
0x4f: {  	_ =	shalt  }
0x50: {  	_ =	shalt  }
0x51: {  	_ =	shalt  }
0x52: {  	_ =	shalt  }
0x53: {  	_ =	shalt  }
0x54: {  	_ =	shalt  }
0x55: {  	_ =	shalt  }
0x56: {  	_ =	shalt  }
0x57: {  	_ =	shalt  }
0x58: {  	_ =	shalt  }
0x59: {  	_ =	shalt  }
0x5a: {  	_ =	shalt  }
0x5b: {  	_ =	shalt  }
0x5c: {  	_ =	shalt  }
0x5d: {  	_ =	shalt  }
0x5e: {  	_ =	shalt  }
0x5f: {  	_ =	shalt  }
0x60: {  	_ =	shalt  }
0x61: {  	_ =	shalt  }
0x62: {  	_ =	shalt  }
0x63: {  	_ =	shalt  }
0x64: {  	_ =	shalt  }
0x65: {  	_ =	shalt  }
0x66: {  	_ =	shalt  }
0x67: {  	_ =	shalt  }
0x68: {  	_ =	shalt  }
0x69: {  	_ =	shalt  }
0x6a: {  	_ =	shalt  }
0x6b: {  	_ =	shalt  }
0x6c: {  	_ =	shalt  }
0x6d: {  	_ =	shalt  }
0x6e: {  	_ =	shalt  }
0x6f: {  	_ =	shalt  }
0x70: {  	_ =	shalt  }
0x71: {  	_ =	shalt  }
0x72: {  	_ =	shalt  }
0x73: {  	_ =	shalt  }
0x74: {  	_ =	shalt  }
0x75: {  	_ =	shalt  }
0x76: {  	_ =	shalt  }
0x77: {  	_ =	shalt  }
0x78: {  	_ =	shalt  }
0x79: {  	_ =	shalt  }
0x7a: {  	_ =	shalt  }
0x7b: {  	_ =	shalt  }
0x7c: {  	_ =	shalt  }
0x7d: {  	_ =	shalt  }
0x7e: {  	_ =	shalt  }
0x7f: {  	_ =	shalt  }
0x80: {  	_ =	shalt  }
0x81: {  	_ =	shalt  }
0x82: {  	_ =	shalt  }
0x83: {  	_ =	shalt  }
0x84: {  	_ =	shalt  }
0x85: {  	_ =	shalt  }
0x86: {  	_ =	shalt  }
0x87: {  	_ =	shalt  }
.Lfunc_end0:
.L_simem_size_0:
called_computation_lowered:
.L_overlay_start_0:
0x88: {  	s0 =	sld [smem:$0x3FD9]  }
0x89: {  	s1 =	sld [smem:$0x3FFE];
	_ =	sdelay $0x3  }
0x8a: {  	s0 =	sadd.s32 s1, s0  }
0x8b: {  	[smem:$0x3FC2] =	sst s0  }
0x8c: {  	_ = 	snop  }
0x8d: {  	s0 =	sld [smem:$0x3FD0];
	_ =	sdelay $0x2  }
0x8e: {  	s13 =	simm.s32 $0xA;
	s2 =	simm.s32 $0x10  }
0x8f: {  	[smem:s2], [sflag:s13] =	dma.local [hbm:s0], $0x1  }
0x90: {  	_ =	swait.eq [sflag:s13], $0x1  }
0x91: {  	[sflag:s13] =	ssyncset.done $0x0  }
0x92: {  	s14 =	sld [smem:$0x11];
	[sflag:s13] =	ssyncadd.s32 $0xFFFFFFFF  }
0x93: {  	s15 =	sld [smem:$0x12];
	(tm) =	ssettm $0x1  }
0x94: {  	s16 =	sld [smem:$0x3FFB];
	_ =	sdelay $0x3  }
0x95: {  	_ =	strace s16  }
0x96: {  	s2 =	sld [smem:$0x3FFC];
	_ =	sdelay $0x3  }
0x97: {  	_ =	strace s2  }
0x98: {  	s2 =	sld [smem:$0x3FFD];
	_ =	sdelay $0x3  }
0x99: {  	_ =	strace s2  }
0x9a: {  	_ =	strace $0x8FFFFFFF  }
0x9b: {  	s17 =	sld [smem:$0x3FDB];
	_ =	sdelay $0x1  }
0x9c: {  	s3 =	simm.s32 $_scs_section_size  }
0x9d: {  	s4 =	simm.s32 $_size__tile_overlayer_lowered;
	s5 =	simm.s32 $_tile_overlayer_lowered  }
0x9e: {  	s20 =	simm.s32 $0x1BFF;
	s19 =	sshll.u32 s5, $0x1;
	s2 =	sadd.s32 s3, s17  }
0x9f: {  	s6 =	simm.s32 $0x0;
	s18 =	sshll.u32 s4, $0x1;
	s4 =	sadd.s32 s19, s2  }
0xa0: {  	[timem:s6], [sflag:s20] =	dma.local [hbm:s4], s18  }
0xa1: {  	_ =	swait.ge [sflag:s20], s18  }
0xa2: {  	s3 =	ssub.s32 $0x0, s18;
	[sflag:s20] =	ssyncset.done $0x0  }
0xa3: {  	[sflag:s20] =	ssyncadd.s32 s3;
	_ =	sdelay $0x1  }
0xa4: {  	s21 =	simm.s32 $0x1B8B  }
0xa5: {  	_ =	swait.ge [sflag:s21], $0x1  }
0xa6: {  	[sflag:s21] =	ssyncset.done $0x0  }
0xa7: {  	s23 =	simm.s32 $0x1B8E;
	s22 =	sld [smem:$0x3FFE];
	[sflag:s21] =	ssyncadd.s32 $0xFFFFFFFF  }
0xa8: {  	s24 =	simm.s32 $execute0_lowered;
	[smem:$0x3FD2] =	sst s23  }
0xa9: {  	s4 =	sshll.u32 s24, $0x1;
	_ =	strace $0x80000046;
	[dreg:$0x1] =	wrdreg $0xFFFFFFFF  }
0xaa: {  	s25 =	simm.s32 $_size_execute0_lowered;
	s2 =	sadd.s32 s2, s4;
	[dreg:$0x0] =	wrdreg $0x0  }
0xab: {  	s4 =	sshll.u32 s25, $0x1;
	[dreg:$0x2] =	wrdreg s2  }
0xac: {  	[dreg:$0x3] =	wrdreg s4  }
0xad: {  	[dreg:$0x4] =	wrdreg $0xC0  }
0xae: {  	_ =	task [dreg:s6], $0x5FFFF  }
0xaf: {  	[dreg:$0x1] =	wrdreg $0xFFFFFFFF  }
0xb0: {  	[dreg:$0x0] =	wrdreg $0x60  }
0xb1: {  	[dreg:$0x2] =	wrdreg s22  }
0xb2: {  	[dreg:$0x3] =	wrdreg s14  }
0xb3: {  	[dreg:$0x4] =	wrdreg s15  }
0xb4: {  	[dreg:$0x5] =	wrdreg $0x9  }
0xb5: {  	_ =	task.clear_ibuf [dreg:s6], $0x6FFFF;
	_ =	strace $0x90000046  }
0xb6: {  	s26 =	simm.s32 $0x9;
	_ =	strace $0x80000048  }
0xb7: {  	_ =	swait.ge [sflag:s26], $0x1  }
0xb8: {  	[sflag:s26] =	ssyncadd.s32 $0xFFFFFFFF  }
0xb9: {  	_ =	strace $0x90000048  }
0xba: {  	_ =	sfence  }
0xbb: {  	s28 =	sld [smem:$0x0];
	_ =	sdelay $0x1  }
0xbc: {  	s29 =	srdreg.scid  }
0xbd: {  	s30 =	sshll.u32 s29, $0xD;
	s31 =	sshrl.u32 s29, $0x2  }
0xbe: {  	s1 =	sand.u32 $0x1, s29;
	s2 =	sand.u32 $0x4000, s30;
	s0 =	sadd.s32 s31, s28  }
0xbf: {  	s1 =	sor.u32 s2, s1;
	s0 =	sshll.u32 s0, $0x11  }
0xc0: {  	s0 =	sor.u32 s0, s1  }
0xc1: {  	s0 =	sadd.s32 $0x8F2B, s0  }
0xc2: {  	[sflag:s0] =	ssyncadd.remote.s32 $0x1  }
0xc3: {  	_ =	sfence.sel $0xFFFF  }
0xc4: {  	[dreg:$0x0] =	wrdreg $0xFFFFFFFF;
	(pc) =	sbr.abs _section_cstart, $3  }
0xc5: {  	[dreg:$0x1] =	wrdreg $0xFFFFFFFF  }
0xc6: {  	_ =	task.clear_ibuf [dreg:s6], $0x2FFFF;
	_ =	strace $0x9FFFFFFF  }
0xc7: {  	(tm) =	ssettm $0x7FFFFFFF  }
tec
execute0_lowered:
.L_overlay_start_1:
0x0: {  	(tag) =	ssettag $0x1  }
0x1: {  	s1 =	rddreg [dreg:$0x0]  }
0x2: {  	s3 =	rddreg [dreg:$0x1]  }
0x3: {  	s4 =	rddreg [dreg:$0x2]  }
0x4: {  	s0 =	rddreg [dreg:$0x3];
	_ =	strace $0x80000047;
	s5 =	stileid.u32  }
0x5: {  	s6 =	simm.s32 $0x3E;
	s1 =	sadd.s32 $0xC8600, s1;
	p0 =	sne.s32 s5, $0x0  }
0x6: {  	[sflag:s6] =	ssyncpa.u1 $0x0;
	s7 =	simm.s32 @!p0 $0x1C3E;
	s2 =	simm.s32 @!p0 $0x0  }
0x7: {  	[spmem:s2], [sflag:s7] =	dma.local @!p0 [hbm:s1], $0x10  }
0x8: {  	s7 =	simm.s32 @!p0 $0x3E  }
0x9: {  	_ =	swait.ge @!p0 [sflag:s7], $0x10  }
0xa: {  	[sflag:s7] =	ssyncset.done @!p0 $0x0  }
0xb: {  	[sflag:s7] =	ssyncadd.s32 @!p0 $0xFFFFFFF0  }
0xc: {  	s12 =	simm.s32 $0x1;
	[bflag:$0x0] =	sbarrier.arrive $0xFFFF  }
0xd: {  	s13 =	simm.s32 $0x2;
	s8 =	simm.s32 $0x0;
	[sflag:s6] =	ssyncpa.u1 $0x1  }
0xe: {  	s9 =	simm.s32 $0x88;
	s5 =	sshll.u32 s5, $0x4;
	[sflag:s12] =	ssyncpa.u1 $0x0  }
0xf: {  	s3 =	sadd.s32 s3, s5;
	(ifvalue) =	ssetifvalue $0x80;
	[sflag:s13] =	ssyncpa.u1 $0x0  }
0x10: {  	[tilespmem:s9], [sflag:$0x2] =	stream.linear.gather [hbm4b:s3+s8], $0x80, $0x38;
	[tilespmem:$0x208] =	vst v63  }
0x11: {  	s15 =	simm.s32 $0x188;
	s14 =	sadd.s32 s4, s5  }
0x12: {  	[tilespmem:s15], [sflag:$0x2] =	stream.linear.gather [hbm4b:s14+s8], $0x80, $0x38;
	[tilespmem:$0x208] =	vst v63  }
0x13: {  	_ =	swait.ge [sflag:s13], $0x100  }
0x14: {  	[sflag:s13] =	ssyncset.done $0x0  }
0x15: {  	[sflag:s13] =	ssyncadd.s32 $0xFFFFFF00  }
0x16: {  	v0 =	vld.msk [tilespmem:s9+$0x0 ss:$0x1], $0xffff;
	_ =	sdelay $0x4  }
0x17: {  	v0 =	vmin.u32 v0, $0x80;
	_ =	sdelay $0x3  }
0x18: {  	vm0 =	vmmov $0xffff;
	s16 =	simm.s32 $0x98  }
0x19: {  	[spmem:s8] =	stream.indirect_vreg.scatter.add.s32 [tilespmem:s15], [sflag:$0x1], $0x1, v0, vm0, $0x4038;
	[tilespmem:$0x208] =	vst v63  }
0x1a: {  	v0 =	vld.msk [tilespmem:s16+$0x0 ss:$0x1], $0xffff;
	_ =	sdelay $0x4  }
0x1b: {  	v0 =	vmin.u32 v0, $0x80;
	_ =	sdelay $0x3  }
0x1c: {  	s17 =	simm.s32 $0x198;
	s18 =	simm.s32 $0xA8  }
0x1d: {  	[spmem:s8] =	stream.indirect_vreg.scatter.add.s32 [tilespmem:s17], [sflag:$0x1], $0x1, v0, vm0, $0x4038;
	[tilespmem:$0x208] =	vst v63  }
0x1e: {  	v0 =	vld.msk [tilespmem:s18+$0x0 ss:$0x1], $0xffff;
	_ =	sdelay $0x4  }
0x1f: {  	v0 =	vmin.u32 v0, $0x80;
	_ =	sdelay $0x3  }
0x20: {  	s19 =	simm.s32 $0x1A8;
	s20 =	simm.s32 $0xB8  }
0x21: {  	[spmem:s8] =	stream.indirect_vreg.scatter.add.s32 [tilespmem:s19], [sflag:$0x1], $0x1, v0, vm0, $0x4038;
	[tilespmem:$0x208] =	vst v63  }
0x22: {  	v0 =	vld.msk [tilespmem:s20+$0x0 ss:$0x1], $0xffff;
	_ =	sdelay $0x4  }
0x23: {  	v0 =	vmin.u32 v0, $0x80;
	_ =	sdelay $0x3  }
0x24: {  	s21 =	simm.s32 $0x1B8;
	s22 =	simm.s32 $0xC8  }
0x25: {  	[spmem:s8] =	stream.indirect_vreg.scatter.add.s32 [tilespmem:s21], [sflag:$0x1], $0x1, v0, vm0, $0x4038;
	[tilespmem:$0x208] =	vst v63  }
0x26: {  	v0 =	vld.msk [tilespmem:s22+$0x0 ss:$0x1], $0xffff;
	_ =	sdelay $0x4  }
0x27: {  	v0 =	vmin.u32 v0, $0x80;
	_ =	sdelay $0x3  }
0x28: {  	s23 =	simm.s32 $0x1C8;
	s24 =	simm.s32 $0xD8  }
0x29: {  	[spmem:s8] =	stream.indirect_vreg.scatter.add.s32 [tilespmem:s23], [sflag:$0x1], $0x1, v0, vm0, $0x4038;
	[tilespmem:$0x208] =	vst v63  }
0x2a: {  	v0 =	vld.msk [tilespmem:s24+$0x0 ss:$0x1], $0xffff;
	_ =	sdelay $0x4  }
0x2b: {  	v0 =	vmin.u32 v0, $0x80;
	_ =	sdelay $0x3  }
0x2c: {  	s25 =	simm.s32 $0x1D8;
	s26 =	simm.s32 $0xE8  }
0x2d: {  	[spmem:s8] =	stream.indirect_vreg.scatter.add.s32 [tilespmem:s25], [sflag:$0x1], $0x1, v0, vm0, $0x4038;
	[tilespmem:$0x208] =	vst v63  }
0x2e: {  	v0 =	vld.msk [tilespmem:s26+$0x0 ss:$0x1], $0xffff;
	_ =	sdelay $0x4  }
0x2f: {  	v0 =	vmin.u32 v0, $0x80;
	_ =	sdelay $0x3  }
0x30: {  	s28 =	simm.s32 $0x1E8;
	s29 =	simm.s32 $0xF8  }
0x31: {  	[spmem:s8] =	stream.indirect_vreg.scatter.add.s32 [tilespmem:s28], [sflag:$0x1], $0x1, v0, vm0, $0x4038;
	[tilespmem:$0x208] =	vst v63  }
0x32: {  	v0 =	vld.msk [tilespmem:s29+$0x0 ss:$0x1], $0xffff;
	_ =	sdelay $0x4  }
0x33: {  	v0 =	vmin.u32 v0, $0x80;
	_ =	sdelay $0x3  }
0x34: {  	s30 =	simm.s32 $0x1F8  }
0x35: {  	[spmem:s8] =	stream.indirect_vreg.scatter.add.s32 [tilespmem:s30], [sflag:$0x1], $0x1, v0, vm0, $0x4038;
	[tilespmem:$0x208] =	vst v63  }
0x36: {  	_ =	swait.ge [sflag:s12], $0x80  }
0x37: {  	[sflag:s12] =	ssyncset.done $0x0  }
0x38: {  	[sflag:s12] =	ssyncadd.s32 $0xFFFFFF80  }
0x39: {  	_ =	sfence.sel $0x180000  }
0x3a: {  	[bflag:$0x0] =	sbarrier.arrive $0xFFFF  }
0x3b: {  	[sflag:s13] =	ssyncpa.u1 $0x1  }
0x3c: {  	[sflag:s12] =	ssyncpa.u1 $0x1  }
0x3d: {  	_ =	sfence.stream.spmem  }
0x3e: {  	s31 =	simm.s32 $0x3D;
	[bflag:$0x0] =	sbarrier.arrive $0xFFFF  }
0x3f: {  	s3 =	simm.s32 @p0 $0x3D;
	[sflag:s31] =	ssyncpa.u1 $0x0  }
0x40: {  	[sflag:s3] =	ssyncpa.u1 @p0 $0x1  }
0x41: {  	[bflag:$0x0] =	sbarrier.arrive @p0 $0xFFFF  }
0x42: {  	_ =	strace @p0 $0x90000047  }
0x43: {  	s3 =	simm.s32 @!p0 $0x1C3D;
	[bflag:$0x2] =	sbarrier.arrive @p0 $0xFFFF  }
0x44: {  	[hbm:s1], [sflag:s3] =	dma.local @!p0 [spmem:s2], $0x10  }
0x45: {  	s1 =	simm.s32 @!p0 $0x3D  }
0x46: {  	_ =	swait.ge @!p0 [sflag:s1], $0x10  }
0x47: {  	[sflag:s1] =	ssyncset.done @!p0 $0x0  }
0x48: {  	[sflag:s1] =	ssyncadd.s32 @!p0 $0xFFFFFFF0  }
0x49: {  	[sflag:s1] =	ssyncpa.u1 @!p0 $0x1  }
0x4a: {  	[bflag:$0x0] =	sbarrier.arrive @!p0 $0xFFFF  }
0x4b: {  	_ =	strace @!p0 $0x90000047  }
0x4c: {  	s0 =	sadd.s32 @!p0 $0x100000, s0;
	[bflag:$0x2] =	sbarrier.arrive @!p0 $0xFFFF  }
0x4d: {  	[sflag:s0] =	ssyncadd.tile.s32 @!p0 $0x1;
	_ =	shalt  }
.Lfunc_end2:
_tile_overlayer_lowered:
.L_overlay_start_2:
0x4e: {  	(tag) =	ssettag $0x2  }
0x4f: {  	s0 =	rddreg [dreg:$0x0];
	s2 =	stileid.u32  }
0x50: {  	s1 =	rddreg [dreg:$0x1];
	p0 =	sne.s32 s2, $0x0  }
0x51: {  	s3 =	rddreg [dreg:$0x2];
	[bflag:$0x3] =	sbarrier.arrive $0xFFFF;
	s2 =	simm.s32 @!p0 $0x1C01  }
0x52: {  	[timem:s3], [sflag:s2] =	dma.local @!p0 [hbm:s0], s1  }
0x53: {  	s0 =	simm.s32 @!p0 $0x1  }
0x54: {  	_ =	swait.ge @!p0 [sflag:s0], s1  }
0x55: {  	s1 =	ssub.s32 @!p0 $0x0, s1;
	[sflag:s0] =	ssyncset.done @!p0 $0x0  }
0x56: {  	[sflag:s0] =	ssyncadd.s32 @!p0 s1  }
0x57: {  	[bflag:$0x3] =	sbarrier.arrive $0xFFFF  }
0x58: {  	_ =	shalt  }

</sc_bundles>
